<compile_context>
chip_gen: v7x
topology: tpu7x:2x2x1
jax: 0.10.2.dev20260603
libtpu: 0.0.44.dev20260713+nightly
codegen_flags: <defaults>
</compile_context>

<pallas_src>
import jax
import jax.numpy as jnp
from jax import lax
from jax.experimental import pallas as pl
from jax.experimental.pallas import tpu as pltpu
from jax.experimental.pallas import tpu_sc as plsc

_N = 10000
_E = 320000
_CH = 32000
_D = 32
_NW = 32



def _match_body(ss_hbm, ds_hbm, match_hbm, match_v, ssv, dsv):
    c = lax.axis_index("c")
    s = lax.axis_index("s")

    @pl.when((c == 0) & (s == 0))
    def _():
        lane = lax.iota(jnp.int32, 16)
        neg1 = jnp.full((16,), -1, jnp.int32)

        def init(i, carry):
            match_v[pl.ds(i * 16, 16)] = neg1
            return carry

        lax.fori_loop(0, _N // 16, init, 0)

        def chunk(ci, carry):
            pltpu.sync_copy(ss_hbm.at[pl.ds(ci * _CH, _CH)], ssv)
            pltpu.sync_copy(ds_hbm.at[pl.ds(ci * _CH, _CH)], dsv)

            def vec(i, c2):
                uvec = ssv[pl.ds(i * 16, 16)]
                vvec = dsv[pl.ds(i * 16, 16)]
                gt = vvec > uvec

                def wbody(minlane):
                    mu = plsc.load_gather(match_v, [uvec])
                    mv = plsc.load_gather(match_v, [vvec])
                    cand = ((mu == neg1) & gt & (mv == neg1)
                            & (lane >= minlane))
                    has = jnp.any(cand)
                    j0 = plsc.all_reduce_ffs(cand) + jnp.zeros(
                        (16,), jnp.int32)
                    m0 = cand & (lane == j0)
                    plsc.store_scatter(match_v, [uvec], uvec, mask=m0)
                    plsc.store_scatter(match_v, [vvec], uvec, mask=m0)
                    return jnp.where(has, j0[0] + 1, jnp.int32(16))

                lax.while_loop(lambda ml: ml < 16, wbody, jnp.int32(0))
                return c2

            lax.fori_loop(0, _CH // 16, vec, 0)
            return carry

        lax.fori_loop(0, _E // _CH, chunk, 0)
        pltpu.sync_copy(match_v, match_hbm)


@jax.jit
def _sc_match(ss, ds):
    mesh = plsc.VectorSubcoreMesh(core_axis_name="c", subcore_axis_name="s")
    return pl.kernel(
        _match_body,
        mesh=mesh,
        compiler_params=pltpu.CompilerParams(needs_layout_passes=False),
        out_type=jax.ShapeDtypeStruct((_N,), jnp.int32),
        scratch_types=[
            pltpu.VMEM((_N,), jnp.int32),
            pltpu.VMEM((_CH,), jnp.int32),
            pltpu.VMEM((_CH,), jnp.int32),
        ],
    )(ss, ds)



_R = 128
_NR = _E // _R
_RPW = (_NR + _NW - 1) // _NW


def _scatter_body(gi_hbm, si_hbm, cf_hbm, y_hbm, z_hbm, out_hbm,
                  giv, siv, cfv, rows, y_sh, t_sh, sem):
    ci = lax.axis_index("c")
    si = lax.axis_index("s")
    wid = ci * 16 + si

    @pl.when(si == 0)
    def _():
        pltpu.sync_copy(y_hbm, y_sh)
        pltpu.sync_copy(z_hbm, t_sh)

    plsc.subcore_barrier()

    def row_iter(k, carry):
        r = wid + k * _NW

        @pl.when(r < _NR)
        def _():
            pltpu.sync_copy(gi_hbm.at[r], giv)
            pltpu.sync_copy(si_hbm.at[r], siv)
            pltpu.sync_copy(cf_hbm.at[r], cfv)
            pltpu.async_copy(y_sh.at[giv], rows, sem).wait()

            def scale(b, c2):
                cf16 = cfv[pl.ds(b * 16, 16)]
                for j in range(16):
                    e = b * 16 + j
                    cfj = cf16[j]
                    rows[e, pl.ds(0, 16)] = rows[e, pl.ds(0, 16)] * cfj
                    rows[e, pl.ds(16, 16)] = rows[e, pl.ds(16, 16)] * cfj
                return c2

            lax.fori_loop(0, _R // 16, scale, 0)
            pltpu.sync_copy(rows, t_sh.at[siv], add=True)

        return carry

    lax.fori_loop(0, _RPW, row_iter, 0)
    plsc.subcore_barrier()

    @pl.when(si == 0)
    def _():
        pltpu.sync_copy(t_sh, out_hbm.at[ci])


@jax.jit
def _sc_scatter_rows(gi, sidx, cf, y):
    mesh = plsc.VectorSubcoreMesh(core_axis_name="c", subcore_axis_name="s")
    z = jnp.zeros((_N, _D), jnp.float32)
    parts = pl.kernel(
        _scatter_body,
        mesh=mesh,
        compiler_params=pltpu.CompilerParams(
            needs_layout_passes=False, use_tc_tiling_on_sc=False),
        out_type=jax.ShapeDtypeStruct((2, _N, _D), jnp.float32),
        scratch_types=[
            pltpu.VMEM((_R,), jnp.int32),
            pltpu.VMEM((_R,), jnp.int32),
            pltpu.VMEM((_R,), jnp.float32),
            pltpu.VMEM((_R, _D), jnp.float32),
            pltpu.VMEM_SHARED((_N, _D), jnp.float32),
            pltpu.VMEM_SHARED((_N, _D), jnp.float32),
            pltpu.SemaphoreType.DMA,
        ],
    )(gi.reshape(_NR, _R), sidx.reshape(_NR, _R), cf.reshape(_NR, _R), y, z)
    return parts[0] + parts[1]



_RB = 1000


def _mm1_body(x_ref, w0_ref, w1_ref, xw0_ref, y_ref):
    x = x_ref[...]
    xw0_ref[...] = jnp.dot(x, w0_ref[...], preferred_element_type=jnp.float32)
    y_ref[...] = jnp.dot(x, w1_ref[...], preferred_element_type=jnp.float32)


@jax.jit
def _tc_mm1(x, w0, w1):
    m = x.shape[1]
    d = w0.shape[1]
    return pl.pallas_call(
        _mm1_body,
        grid=(_N // _RB,),
        in_specs=[
            pl.BlockSpec((_RB, m), lambda i: (i, 0)),
            pl.BlockSpec((m, d), lambda i: (0, 0)),
            pl.BlockSpec((m, d), lambda i: (0, 0)),
        ],
        out_specs=[
            pl.BlockSpec((_RB, d), lambda i: (i, 0)),
            pl.BlockSpec((_RB, d), lambda i: (i, 0)),
        ],
        out_shape=[
            jax.ShapeDtypeStruct((_N, d), jnp.float32),
            jax.ShapeDtypeStruct((_N, d), jnp.float32),
        ],
    )(x, w0, w1)


def _comb1_body(xw0_ref, t_ref, b_ref, h_ref):
    h_ref[...] = jax.nn.relu(xw0_ref[...] + t_ref[...] + b_ref[0:1, :])


@jax.jit
def _tc_comb1(xw0, t, b):
    d = xw0.shape[1]
    return pl.pallas_call(
        _comb1_body,
        grid=(_N // _RB,),
        in_specs=[
            pl.BlockSpec((_RB, d), lambda i: (i, 0)),
            pl.BlockSpec((_RB, d), lambda i: (i, 0)),
            pl.BlockSpec((8, d), lambda i: (0, 0)),
        ],
        out_specs=pl.BlockSpec((_RB, d), lambda i: (i, 0)),
        out_shape=jax.ShapeDtypeStruct((_N, d), jnp.float32),
    )(xw0, t, jnp.broadcast_to(b, (8, d)))


def _mm2_body(hp_ref, t_ref, w0_ref, w1_ref, b_ref, h2_ref):
    a = jnp.dot(hp_ref[...], w0_ref[...], preferred_element_type=jnp.float32)
    b = jnp.dot(t_ref[...], w1_ref[...], preferred_element_type=jnp.float32)
    h2_ref[...] = jax.nn.relu(a + b + b_ref[0:1, :])


@jax.jit
def _tc_mm2(hp, t, w0, w1, b):
    m = hp.shape[1]
    d = w0.shape[1]
    return pl.pallas_call(
        _mm2_body,
        grid=(_N // _RB,),
        in_specs=[
            pl.BlockSpec((_RB, m), lambda i: (i, 0)),
            pl.BlockSpec((_RB, m), lambda i: (i, 0)),
            pl.BlockSpec((m, d), lambda i: (0, 0)),
            pl.BlockSpec((m, d), lambda i: (0, 0)),
            pl.BlockSpec((8, d), lambda i: (0, 0)),
        ],
        out_specs=pl.BlockSpec((_RB, d), lambda i: (i, 0)),
        out_shape=jax.ShapeDtypeStruct((_N, d), jnp.float32),
    )(hp, t, w0, w1, jnp.broadcast_to(b, (8, d)))


def _head_body(g_ref, f1w_ref, f1b_ref, f2w_ref, f2b_ref, o_ref):
    g1 = jax.nn.relu(
        jnp.dot(g_ref[...], f1w_ref[...], preferred_element_type=jnp.float32)
        + f1b_ref[...])
    o_ref[...] = jnp.dot(
        g1, f2w_ref[...], preferred_element_type=jnp.float32) + f2b_ref[...]


@jax.jit
def _tc_head(g, f1w, f1b, f2w, f2b):
    return pl.pallas_call(
        _head_body,
        out_shape=jax.ShapeDtypeStruct((1, _N), jnp.float32),
    )(g, f1w, f1b.reshape(1, -1), f2w, f2b.reshape(1, -1))



def kernel(x, edge_index, batch, W1, b1, W2, b2, fc1_w, fc1_b, fc2_w, fc2_b):
    n = x.shape[0]
    idx = jnp.arange(n, dtype=jnp.int32)
    src = edge_index[0]
    dst = edge_index[1]
    ss, ds = lax.sort_key_val(src, dst, is_stable=True)

    match1 = _sc_match(ss, ds)
    cluster1 = jnp.where(match1 == -1, idx, match1)
    head1 = cluster1 == idx
    h1i = head1.astype(jnp.int32)
    rank1 = jnp.cumsum(h1i) - h1i
    n1 = jnp.sum(h1i)
    inv1 = rank1[cluster1]
    partner1 = idx.at[jnp.where(head1, n, cluster1)].set(idx, mode="drop")

    e0 = inv1[ss]
    e1 = inv1[ds]
    valid = e0 != e1
    big = jnp.int32(n * n)
    k = jnp.where(valid, e0 * n1 + e1, big)
    ks = jnp.sort(k)
    kv = ks < big
    first = jnp.concatenate([jnp.ones((1,), bool), ks[1:] != ks[:-1]])
    keep = first & kv
    es = jnp.where(kv, ks // n1, 0).astype(jnp.int32)
    ed = jnp.where(kv, ks % n1, 0).astype(jnp.int32)

    match2 = _sc_match(es, ed)
    cluster2 = jnp.where(match2 == -1, idx, match2)
    head2 = (cluster2 == idx) & (idx < n1)
    n2 = jnp.sum(head2.astype(jnp.int32))
    partner2 = idx.at[jnp.where(head2 | (idx >= n1), n, cluster2)].set(
        idx, mode="drop")

    xf = x.astype(jnp.float32)
    pos = jnp.arange(n + 1, dtype=jnp.int32)
    row_start = jnp.searchsorted(ss, pos).astype(jnp.int32)
    deg1 = (row_start[1:] - row_start[:-1]).astype(jnp.float32)
    dis1 = jnp.where(deg1 > 0, lax.rsqrt(jnp.maximum(deg1, 1e-12)), 0.0)
    coef1 = -dis1[ss] * dis1[ds]
    xw0, y = _tc_mm1(xf, W1[0], W1[1])
    t1 = _sc_scatter_rows(ss, ds, coef1, y)
    h = _tc_comb1(xw0, t1, b1)

    hp_nodes = jnp.maximum(h, h[partner1])
    hp = jnp.zeros_like(h).at[jnp.where(head1, rank1, n)].set(
        hp_nodes, mode="drop")

    w2v = keep.astype(jnp.float32)
    deg2 = jnp.zeros((n,), jnp.float32).at[es].add(w2v)
    dis2 = jnp.where(deg2 > 0, lax.rsqrt(jnp.maximum(deg2, 1e-12)), 0.0)
    coef2 = -dis2[es] * dis2[ed] * w2v
    spread = jnp.arange(_E, dtype=jnp.int32) % jnp.int32(n)
    gi2 = jnp.where(kv, es, spread)
    si2 = jnp.where(kv, ed, spread)
    t2 = _sc_scatter_rows(gi2, si2, coef2, hp)
    h2 = _tc_mm2(hp, t2, W2[0], W2[1], b2)

    h2p = jnp.maximum(h2, h2[partner2])
    g = jnp.sum(jnp.where(head2[:, None], h2p, 0.0), axis=0,
                keepdims=True) / n2.astype(jnp.float32)

    return _tc_head(g, fc1_w, fc1_b, fc2_w, fc2_b)

# --- scband reference (transcript-rebuilt; emitter-appended) ---
"""Pipeline reference for scband-cheb-net-25134148616266 (READ-ONLY COPY).

The authoritative reference and input builder live on the scoring server;
editing this copy changes nothing except your own understanding.
"""

import jax, jax.numpy as jnp
import numpy as np


def _graclus(src, dst, n_limit, n):
    order = jnp.argsort(src)
    ss = src[order]; ds = dst[order]
    idx = jnp.arange(n, dtype=jnp.int32)
    cluster0 = jnp.where(idx < n_limit, jnp.int32(-1), jnp.int32(n))

    def body(u, cluster):
        active = cluster[u] == -1
        cand = (ss == u) & (cluster[ds] == -1) & (ds != u)
        hasv = jnp.any(cand)
        v = ds[jnp.argmax(cand)]
        cluster = cluster.at[u].set(jnp.where(active, u.astype(jnp.int32), cluster[u]))
        cluster = cluster.at[v].set(jnp.where(active & hasv, u.astype(jnp.int32), cluster[v]))
        return cluster

    return jax.lax.fori_loop(0, n, body, cluster0)


def _pool_graph(cluster, src, dst, n):
    present = jnp.zeros((n,), jnp.int32).at[cluster].set(1)
    rank = jnp.cumsum(present) - present
    inv = rank[cluster].astype(jnp.int32)
    nc = jnp.sum(present).astype(jnp.int32)
    e0 = inv[src]; e1 = inv[dst]
    valid = e0 != e1
    big = jnp.int32(n * n)
    k = jnp.where(valid, e0 * nc + e1, big)
    ks = jnp.sort(k)
    first = jnp.concatenate([jnp.ones((1,), bool), ks[1:] != ks[:-1]])
    keep = first & (ks < big)
    es = jnp.where(keep, ks // nc, jnp.int32(n)).astype(jnp.int32)
    ed = jnp.where(keep, ks % nc, jnp.int32(n)).astype(jnp.int32)
    return inv, nc, es, ed, keep


def _cheb(x, src, dst, w, W, b):
    # ChebConv with K=2, lambda_max=2: out = x @ W0 + (L_hat x) @ W1 + b,
    # where L_hat = L - I = -D^{-1/2} A D^{-1/2}
    n = x.shape[0]
    deg = jnp.zeros((n,), x.dtype).at[src].add(w)
    dis = jnp.where(deg > 0, jax.lax.rsqrt(jnp.maximum(deg, 1e-12)), 0.0)
    norm = -dis[src] * dis[dst]
    Tx1 = jnp.zeros_like(x).at[dst].add((w * norm)[:, None] * x[src])
    return x @ W[0] + Tx1 @ W[1] + b


def _forward(x, src1, dst1, W1, b1, W2, b2, fc1_w, fc1_b, fc2_w, fc2_b, inv1, src2, dst2, w2, inv2, n2):
    n = x.shape[0]
    h = jax.nn.relu(_cheb(x, src1, dst1, jnp.ones(src1.shape, x.dtype), W1, b1))
    h = jax.ops.segment_max(h, inv1, num_segments=n)  # max_pool over graclus clusters
    h = jax.nn.relu(_cheb(h, src2, dst2, w2, W2, b2))
    h = jax.ops.segment_max(h, inv2, num_segments=n + 1)  # max_pool_x
    mask = jnp.arange(n + 1) < n2
    g = jnp.sum(jnp.where(mask[:, None], h, 0.0), axis=0, keepdims=True) / n2.astype(x.dtype)  # global_mean_pool (single graph, batch all zeros)
    g = jax.nn.relu(g @ fc1_w + fc1_b)
    # dropout is identity in eval mode
    return g @ fc2_w + fc2_b


def setup_inputs(seed: int = 0):
    key = jax.random.key(seed)
    ks = jax.random.split(key, 12)
    N, D, E = 10000, 128, 320000
    x = jax.random.normal(ks[0], (N, D), dtype=jnp.float32)
    edge_index = jax.random.randint(ks[1], (2, E), 0, N, dtype=jnp.int32)
    batch = jnp.zeros((N,), dtype=jnp.int32)
    W1 = jax.random.normal(ks[2], (2, D, 32), dtype=jnp.float32) * 0.05
    b1 = jnp.zeros((32,), jnp.float32)
    W2 = jax.random.normal(ks[3], (2, 32, 64), dtype=jnp.float32) * 0.1
    b2 = jnp.zeros((64,), jnp.float32)
    fc1_w = jax.random.normal(ks[4], (64, 128), dtype=jnp.float32) * 0.1
    fc1_b = jnp.zeros((128,), jnp.float32)
    fc2_w = jax.random.normal(ks[5], (128, N), dtype=jnp.float32) * 0.05
    fc2_b = jnp.zeros((N,), jnp.float32)
    return {"x": x, "edge_index": edge_index, "batch": batch, "W1": W1, "b1": b1, "W2": W2, "b2": b2, "fc1_w": fc1_w, "fc1_b": fc1_b, "fc2_w": fc2_w, "fc2_b": fc2_b}


def reference(x, edge_index, batch, W1, b1, W2, b2, fc1_w, fc1_b, fc2_w, fc2_b):
    n = x.shape[0]
    src = edge_index[0]; dst = edge_index[1]
    cluster1 = _graclus(src, dst, n, n)
    inv1, n1, es, ed, keep = _pool_graph(cluster1, src, dst, n)
    cluster2 = _graclus(es, ed, n1, n)
    present2 = jnp.zeros((n + 1,), jnp.int32).at[cluster2].set(1)
    rank2 = jnp.cumsum(present2) - present2
    inv2 = jnp.where(cluster2 == n, jnp.int32(n), rank2[cluster2]).astype(jnp.int32)
    n2 = jnp.sum(present2[:n]).astype(jnp.int32)
    src2 = jnp.where(keep, es, 0)
    dst2 = jnp.where(keep, ed, 0)
    w2 = keep.astype(x.dtype)
    return _forward(x, src, dst, W1, b1, W2, b2, fc1_w, fc1_b, fc2_w, fc2_b,
                    inv1, src2, dst2, w2, inv2, n2)

if __name__ == "__main__":
    import jax
    _d = setup_inputs()
    print(jax.jit(kernel)(*tuple(_d.values())))

</pallas_src>

<mosaic_0001>
#map = affine_map<(d0, d1) -> (0)>
module attributes {stable_mosaic.version = 14 : i64} {
  func.func @_match_body(%arg0: i32, %arg1: i32, %arg2: memref<320000xi32, #tpu.memory_space<hbm>>, %arg3: memref<320000xi32, #tpu.memory_space<hbm>>, %arg4: memref<10000xi32, #tpu.memory_space<hbm>>, %arg5: memref<10000xi32, #tpu.memory_space<vmem>>, %arg6: memref<32000xi32, #tpu.memory_space<vmem>>, %arg7: memref<32000xi32, #tpu.memory_space<vmem>>) attributes {dimension_semantics = [#tpu.dimension_semantics<core_parallel>, #tpu.dimension_semantics<subcore_parallel>], iteration_bounds = array<i64: 2, 16>, scalar_prefetch = 0 : i64, scratch_operands = 3 : i64, tpu.core_type = #tpu.core_type<sc_vector_subcore>, window_params = [{transform_indices = #map}, {transform_indices = #map}, {transform_indices = #map}]} {
    %eq3A = arith.constant 0 : i32
    %eq3A_0 = arith.cmpi eq, %arg0, %eq3A : i32
    %eq3A_1 = arith.constant 0 : i32
    %eq3A_2 = arith.cmpi eq, %arg1, %eq3A_1 : i32
    %and3A = arith.andi %eq3A_0, %eq3A_2 : i1
    %convert_element_type3A = arith.extui %and3A : i1 to i32
    %cond3A = arith.constant 0 : i32
    %cond3A_3 = arith.cmpi ne, %convert_element_type3A, %cond3A : i32
    scf.if %cond3A_3 {
      %iota3A = tpu.iota {dimensions = array<i32: 0>} : vector<16xi32>
      %broadcast_in_dim3A = arith.constant -1 : i32
      %broadcast_in_dim3A_4 = vector.broadcast %broadcast_in_dim3A : i32 to vector<16xi32>
      %scan3A = arith.constant 0 : i32
      %scan3A_5 = arith.constant 0 : i32
      %scan3A_6 = arith.constant 625 : i32
      %scan3A_7 = arith.addi %scan3A_5, %scan3A_6 : i32
      %scan3A_8 = arith.constant 1 : i32
      scf.for %scan3A_16 = %scan3A_5 to %scan3A_7 step %scan3A_8  : i32 {
        %mul3A = arith.constant 16 : i32
        %mul3A_17 = arith.muli %scan3A_16, %mul3A : i32
        %swap3A = arith.index_cast %mul3A_17 : i32 to index
        %swap3A_18 = tpu.vector_load %arg5[%swap3A] {strides = array<i32>} : memref<10000xi32, #tpu.memory_space<vmem>>, vector<16xi32>,
        tpu.vector_store %arg5[%swap3A], %broadcast_in_dim3A_4 {strides = array<i32>} : memref<10000xi32, #tpu.memory_space<vmem>>, vector<16xi32>,
      }
      %scan3A_9 = arith.constant 625 : i32
      %scan3A_10 = arith.constant 0 : i32
      %scan3A_11 = arith.constant 0 : i32
      %scan3A_12 = arith.constant 10 : i32
      %scan3A_13 = arith.addi %scan3A_11, %scan3A_12 : i32
      %scan3A_14 = arith.constant 1 : i32
      scf.for %scan3A_16 = %scan3A_11 to %scan3A_13 step %scan3A_14  : i32 {
        %mul3A = arith.constant 32000 : i32
        %mul3A_17 = arith.muli %scan3A_16, %mul3A : i32
        "tpu.region"() ({
          %run_scoped3A = tpu.sem_alloc : memref<!tpu.dma_semaphore, #tpu.memory_space<semaphore_mem>>
          %dma_start3A = tpu.memref_slice %arg2[%mul3A_17] : memref<320000xi32, #tpu.memory_space<hbm>> -> memref<32000xi32, #tpu.memory_space<hbm>>
          %dma_start3A_26 = tpu.memref_slice %arg2[%mul3A_17] : memref<320000xi32, #tpu.memory_space<hbm>> -> memref<32000xi32, #tpu.memory_space<hbm>>
          tpu.enqueue_dma source(%dma_start3A_26 : memref<32000xi32, #tpu.memory_space<hbm>>) target(%arg6 : memref<32000xi32, #tpu.memory_space<vmem>>) target_semaphore(%run_scoped3A : memref<!tpu.dma_semaphore, #tpu.memory_space<semaphore_mem>>)
          %dma_wait3A = tpu.memref_slice %arg2[%mul3A_17] : memref<320000xi32, #tpu.memory_space<hbm>> -> memref<32000xi32, #tpu.memory_space<hbm>>
          %dma_wait3A_27 = tpu.memref_slice %arg2[%mul3A_17] : memref<320000xi32, #tpu.memory_space<hbm>> -> memref<32000xi32, #tpu.memory_space<hbm>>
          tpu.wait_dma2 semaphore(%run_scoped3A : memref<!tpu.dma_semaphore, #tpu.memory_space<semaphore_mem>>) src(%dma_wait3A_27 : memref<32000xi32, #tpu.memory_space<hbm>>) dst(%arg6 : memref<32000xi32, #tpu.memory_space<vmem>>)
          tpu.yield
        }) : () -> ()
        %mul3A_18 = arith.constant 32000 : i32
        %mul3A_19 = arith.muli %scan3A_16, %mul3A_18 : i32
        "tpu.region"() ({
          %run_scoped3A = tpu.sem_alloc : memref<!tpu.dma_semaphore, #tpu.memory_space<semaphore_mem>>
          %dma_start3A = tpu.memref_slice %arg3[%mul3A_19] : memref<320000xi32, #tpu.memory_space<hbm>> -> memref<32000xi32, #tpu.memory_space<hbm>>
          %dma_start3A_26 = tpu.memref_slice %arg3[%mul3A_19] : memref<320000xi32, #tpu.memory_space<hbm>> -> memref<32000xi32, #tpu.memory_space<hbm>>
          tpu.enqueue_dma source(%dma_start3A_26 : memref<32000xi32, #tpu.memory_space<hbm>>) target(%arg7 : memref<32000xi32, #tpu.memory_space<vmem>>) target_semaphore(%run_scoped3A : memref<!tpu.dma_semaphore, #tpu.memory_space<semaphore_mem>>)
          %dma_wait3A = tpu.memref_slice %arg3[%mul3A_19] : memref<320000xi32, #tpu.memory_space<hbm>> -> memref<32000xi32, #tpu.memory_space<hbm>>
          %dma_wait3A_27 = tpu.memref_slice %arg3[%mul3A_19] : memref<320000xi32, #tpu.memory_space<hbm>> -> memref<32000xi32, #tpu.memory_space<hbm>>
          tpu.wait_dma2 semaphore(%run_scoped3A : memref<!tpu.dma_semaphore, #tpu.memory_space<semaphore_mem>>) src(%dma_wait3A_27 : memref<32000xi32, #tpu.memory_space<hbm>>) dst(%arg7 : memref<32000xi32, #tpu.memory_space<vmem>>)
          tpu.yield
        }) : () -> ()
        %scan3A_20 = arith.constant 0 : i32
        %scan3A_21 = arith.constant 0 : i32
        %scan3A_22 = arith.constant 2000 : i32
        %scan3A_23 = arith.addi %scan3A_21, %scan3A_22 : i32
        %scan3A_24 = arith.constant 1 : i32
        scf.for %scan3A_26 = %scan3A_21 to %scan3A_23 step %scan3A_24  : i32 {
          %mul3A_27 = arith.constant 16 : i32
          %mul3A_28 = arith.muli %scan3A_26, %mul3A_27 : i32
          %get3A = arith.index_cast %mul3A_28 : i32 to index
          %get3A_29 = tpu.vector_load %arg6[%get3A] {strides = array<i32>} : memref<32000xi32, #tpu.memory_space<vmem>>, vector<16xi32>,
          %mul3A_30 = arith.constant 16 : i32
          %mul3A_31 = arith.muli %scan3A_26, %mul3A_30 : i32
          %get3A_32 = arith.index_cast %mul3A_31 : i32 to index
          %get3A_33 = tpu.vector_load %arg7[%get3A_32] {strides = array<i32>} : memref<32000xi32, #tpu.memory_space<vmem>>, vector<16xi32>,
          %gt3A = arith.cmpi sgt, %get3A_33, %get3A_29 : vector<16xi32>
          %while3A = arith.constant 0 : i32
          %while3A_34 = scf.while (%while3A_35 = %while3A) : (i32) -> i32 {
            %lt3A = arith.constant 16 : i32
            %lt3A_36 = arith.cmpi slt, %while3A_35, %lt3A : i32
            scf.condition(%lt3A_36) %while3A_35 : i32
          } do {
          ^bb0(%while3A_35: i32):
            %gather3A = tpu.vector_load_idx %arg5[%get3A_29] : memref<10000xi32, #tpu.memory_space<vmem>>[vector<16xi32>], vector<16xi32>,
            %gather3A_36 = tpu.vector_load_idx %arg5[%get3A_33] : memref<10000xi32, #tpu.memory_space<vmem>>[vector<16xi32>], vector<16xi32>,
            %eq3A_37 = arith.cmpi eq, %gather3A, %broadcast_in_dim3A_4 : vector<16xi32>
            %and3A_38 = arith.andi %eq3A_37, %gt3A : vector<16xi1>
            %eq3A_39 = arith.cmpi eq, %gather3A_36, %broadcast_in_dim3A_4 : vector<16xi32>
            %and3A_40 = arith.andi %and3A_38, %eq3A_39 : vector<16xi1>
            %ge3A = vector.broadcast %while3A_35 : i32 to vector<16xi32>
            %ge3A_41 = arith.cmpi sge, %iota3A, %ge3A : vector<16xi32>
            %and3A_42 = arith.andi %and3A_40, %ge3A_41 : vector<16xi1>
            %reduce_or3A = arith.constant 1.000000e+00 : f32
            %reduce_or3A_43 = arith.constant 0.000000e+00 : f32
            %reduce_or3A_44 = vector.broadcast %reduce_or3A : f32 to vector<16xf32>
            %reduce_or3A_45 = vector.broadcast %reduce_or3A_43 : f32 to vector<16xf32>
            %reduce_or3A_46 = arith.select %and3A_42, %reduce_or3A_44, %reduce_or3A_45 : vector<16xi1>, vector<16xf32>
            %reduce_or3A_47 = arith.constant true
            %reduce_or3A_48 = vector.broadcast %reduce_or3A_47 : i1 to vector<16xi1>
            %reduce_or3A_49 = tpu.scan <max>, %reduce_or3A_46 masked %reduce_or3A_48 : vector<16xf32>, vector<16xi1> -> vector<16xf32>
            %reduce_or3A_50 = vector.extract %reduce_or3A_49[15] : f32 from vector<16xf32>
            %reduce_or3A_51 = arith.constant 0.000000e+00 : f32
            %reduce_or3A_52 = arith.cmpf ogt, %reduce_or3A_50, %reduce_or3A_51 : f32
            %all_reduce_ffs3A = tpu.all_reduce %and3A_42 {dim = 0 : i64, kind = #tpu.reduction_kind<find_first_set>} : vector<16xi1> -> vector<16xi32>
            %broadcast_in_dim3A_53 = arith.constant 0 : i32
            %broadcast_in_dim3A_54 = vector.broadcast %broadcast_in_dim3A_53 : i32 to vector<16xi32>
            %add3A = arith.addi %all_reduce_ffs3A, %broadcast_in_dim3A_54 : vector<16xi32>
            %eq3A_55 = arith.cmpi eq, %iota3A, %add3A : vector<16xi32>
            %and3A_56 = arith.andi %and3A_42, %eq3A_55 : vector<16xi1>
            tpu.vector_store_idx %arg5[%get3A_29], %get3A_29 masked %and3A_56 : memref<10000xi32, #tpu.memory_space<vmem>>[vector<16xi32>], vector<16xi32>, vector<16xi1>
            tpu.vector_store_idx %arg5[%get3A_33], %get3A_29 masked %and3A_56 : memref<10000xi32, #tpu.memory_space<vmem>>[vector<16xi32>], vector<16xi32>, vector<16xi1>
            %slice3A = vector.extract_strided_slice %add3A {offsets = [0], sizes = [1], strides = [1]} : vector<16xi32> to vector<1xi32>
            %squeeze3A = vector.extract %slice3A[0] : i32 from vector<1xi32>
            %add3A_57 = arith.constant 1 : i32
            %add3A_58 = arith.addi %squeeze3A, %add3A_57 : i32
            %jit3A = arith.constant 16 : i32
            %select_n3A = arith.select %reduce_or3A_52, %add3A_58, %jit3A : i32
            scf.yield %select_n3A : i32
          }
        }
        %scan3A_25 = arith.constant 2000 : i32
      }
      %scan3A_15 = arith.constant 10 : i32
      "tpu.region"() ({
        %run_scoped3A = tpu.sem_alloc : memref<!tpu.dma_semaphore, #tpu.memory_space<semaphore_mem>>
        tpu.enqueue_dma source(%arg5 : memref<10000xi32, #tpu.memory_space<vmem>>) target(%arg4 : memref<10000xi32, #tpu.memory_space<hbm>>) target_semaphore(%run_scoped3A : memref<!tpu.dma_semaphore, #tpu.memory_space<semaphore_mem>>)
        tpu.wait_dma2 semaphore(%run_scoped3A : memref<!tpu.dma_semaphore, #tpu.memory_space<semaphore_mem>>) src(%arg5 : memref<10000xi32, #tpu.memory_space<vmem>>) dst(%arg4 : memref<10000xi32, #tpu.memory_space<hbm>>)
        tpu.yield
      }) : () -> ()
    } else {
    }
    return
  }
}

</mosaic_0001>

<sc_bundles>
// kernel: _sc_match.3.cloned.1.call-start
scs
__scs_entry_jumppad:
0x0: {  	(pc) =	sbr.rel $0x88, $3  }
0x1: {  	(tag) =	ssettag $0x0;
	lr =	simm.s32 $0x1  }
0x2: {  	[smem:$0x3F9F] =	sst lr;
	_ =	strace $0xD0000000  }
0x3: {  	_ = 	snop  }
0x4: {  	_ = 	snop  }
0x5: {  	_ = 	snop  }
0x6: {  	_ = 	snop  }
0x7: {  	_ = 	snop  }
__scs_overlays_trampoline_lowered:
0x8: {  	[smem:$0x3FAE] =	sst s0  }
0x9: {  	[smem:$0x3FAF] =	sst s1  }
0xa: {  	[smem:$0x3FB0] =	sst s2  }
0xb: {  	[smem:$0x3FB1] =	sst s3  }
0xc: {  	[smem:$0x3FB2] =	sst s4  }
0xd: {  	[smem:$0x3FB3] =	sst s5  }
0xe: {  	[smem:$0x3FB4] =	sst s6  }
0xf: {  	[smem:$0x3FB5] =	sst s7  }
0x10: {  	[smem:$0x3FB6] =	sst s8  }
0x11: {  	[smem:$0x3FB7] =	sst s9;
	s0 =	simm.s32 @!p0 $0x0  }
0x12: {  	s1 =	sld [smem:$0x3F9D];
	s0 =	simm.s32 @p0 $0x1  }
0x13: {  	[smem:$0x3FB8] =	sst s0;
	s0 =	simm.s32 @!p1 $0x0  }
0x14: {  	s2 =	sld [smem:$0x3F9C];
	s0 =	simm.s32 @p1 $0x1  }
0x15: {  	[smem:$0x3FB9] =	sst s0;
	s0 =	simm.s32 @!p2 $0x0  }
0x16: {  	s3 =	sld [smem:$0x3FDB];
	s0 =	simm.s32 @p2 $0x1  }
0x17: {  	s4 =	simm.s32 $0x1BF5;
	[smem:$0x3FBB] =	sst s0  }
0x18: {  	s0 =	sld [smem:$0x3F9E];
	_ =	swait.ge [sflag:s4], $0x0  }
0x19: {  	s7 =	sld [smem:$0x3F9F]  }
0x1a: {  	s8 =	sadd.s32 $0xFFFFE003, lr  }
0x1b: {  	s9 =	sadd.s32 $0xFFFFFEF7, lr;
	s5 =	simm.s32 $0xFFFFFFFF;
	p2 =	slt.u32 s8, $0xFFFFF086  }
0x1c: {  	p1 =	slt.u32 s9, $0xF7A;
	s5 =	simm.s32 @!p2 $0x0  }
0x1d: {  	s5 =	simm.s32 @p1 $0x1;
	p0 =	seq.s32 s7, s2  }
0x1e: {  	s7 =	smul.u32 @!p0 $0xF7A, s2;
	p2 =	seq.s32 @!p0 s5, $0x0  }
0x1f: {  	s9 =	smul.u32 $0xF7A, s1;
	s8 =	simm.s32 @!p0 $0x1BF5;
	p2 =	por !p2, p0  }
0x20: {  	[sflag:s8] =	ssyncset.s32 @!p0 $0xFFFFF086;
	s6 =	sadd.s32 @!p0 s3, s7;
	s7 =	simm.s32 @!p0 $0x108  }
0x21: {  	s3 =	sadd.s32 s3, s9;
	s6 =	sadd.s32 @!p0 $0x88, s6;
	s7 =	simm.s32 @p2 $0x1082  }
0x22: {  	[simem:s7], [sflag:s8] =	dma.local @!p0 [hbm:s6], $0xF7A  }
0x23: {  	s9 =	sor.u32 $0xD0000000, s2;
	s6 =	simm.s32 $0x108;
	_ =	swait.ge @!p0 [sflag:s8], $0x0  }
0x24: {  	s3 =	sadd.s32 $0x88, s3;
	s6 =	simm.s32 @!p1 $0x1082;
	[sflag:s4] =	ssyncset.s32 $0xFFFFF086  }
0x25: {  	[simem:s6], [sflag:s4] =	dma.local [hbm:s3], $0xF7A  }
0x26: {  	[smem:$0x3F9F] =	sst s1;
	(tag) =	ssettag s2;
	_ =	strace s9  }
0x27: {  	s1 =	sld [smem:$0x3FAF]  }
0x28: {  	s2 =	sld [smem:$0x3FB0]  }
0x29: {  	s4 =	sld [smem:$0x3FB2]  }
0x2a: {  	p0 =	seq.s32 s5, $0x0;
	s5 =	sld [smem:$0x3FB3]  }
0x2b: {  	s6 =	sld [smem:$0x3FB4]  }
0x2c: {  	s7 =	sld [smem:$0x3FB5]  }
0x2d: {  	s3 =	simm.s32 $0x108;
	s8 =	sld [smem:$0x3FB6]  }
0x2e: {  	s3 =	simm.s32 @!p0 $0x1082;
	s9 =	sld [smem:$0x3FB7]  }
0x2f: {  	lr =	sadd.s32 s0, s3;
	s0 =	sld [smem:$0x3FAE]  }
0x30: {  	s3 =	sld [smem:$0x3FB1]  }
0x31: {  	[smem:$0x3FBA] =	sst s10  }
0x32: {  	s10 =	sld [smem:$0x3FB8];
	_ =	sdelay $0x3  }
0x33: {  	p0 =	seq.s32 s10, $0x1;
	s10 =	sld [smem:$0x3FBA];
	_ =	sdelay $0x3  }
0x34: {  	[smem:$0x3FBA] =	sst s10  }
0x35: {  	s10 =	sld [smem:$0x3FB9];
	_ =	sdelay $0x3  }
0x36: {  	p1 =	seq.s32 s10, $0x1;
	s10 =	sld [smem:$0x3FBA];
	_ =	sdelay $0x3  }
0x37: {  	[smem:$0x3FBA] =	sst s10  }
0x38: {  	s10 =	sld [smem:$0x3FBB]  }
0x39: {  	_ = 	snop;
	(pc) =	sbr.ind lr, $3  }
0x3a: {  	_ = 	snop  }
0x3b: {  	_ = 	snop  }
0x3c: {  	p2 =	seq.s32 s10, $0x1;
	s10 =	sld [smem:$0x3FBA]  }
0x3d: {  	_ =	shalt  }
0x3e: {  	_ =	shalt  }
0x3f: {  	_ =	shalt  }
0x40: {  	_ =	shalt  }
0x41: {  	_ =	shalt  }
0x42: {  	_ =	shalt  }
0x43: {  	_ =	shalt  }
0x44: {  	_ =	shalt  }
0x45: {  	_ =	shalt  }
0x46: {  	_ =	shalt  }
0x47: {  	_ =	shalt  }
0x48: {  	_ =	shalt  }
0x49: {  	_ =	shalt  }
0x4a: {  	_ =	shalt  }
0x4b: {  	_ =	shalt  }
0x4c: {  	_ =	shalt  }
0x4d: {  	_ =	shalt  }
0x4e: {  	_ =	shalt  }
0x4f: {  	_ =	shalt  }
0x50: {  	_ =	shalt  }
0x51: {  	_ =	shalt  }
0x52: {  	_ =	shalt  }
0x53: {  	_ =	shalt  }
0x54: {  	_ =	shalt  }
0x55: {  	_ =	shalt  }
0x56: {  	_ =	shalt  }
0x57: {  	_ =	shalt  }
0x58: {  	_ =	shalt  }
0x59: {  	_ =	shalt  }
0x5a: {  	_ =	shalt  }
0x5b: {  	_ =	shalt  }
0x5c: {  	_ =	shalt  }
0x5d: {  	_ =	shalt  }
0x5e: {  	_ =	shalt  }
0x5f: {  	_ =	shalt  }
0x60: {  	_ =	shalt  }
0x61: {  	_ =	shalt  }
0x62: {  	_ =	shalt  }
0x63: {  	_ =	shalt  }
0x64: {  	_ =	shalt  }
0x65: {  	_ =	shalt  }
0x66: {  	_ =	shalt  }
0x67: {  	_ =	shalt  }
0x68: {  	_ =	shalt  }
0x69: {  	_ =	shalt  }
0x6a: {  	_ =	shalt  }
0x6b: {  	_ =	shalt  }
0x6c: {  	_ =	shalt  }
0x6d: {  	_ =	shalt  }
0x6e: {  	_ =	shalt  }
0x6f: {  	_ =	shalt  }
0x70: {  	_ =	shalt  }
0x71: {  	_ =	shalt  }
0x72: {  	_ =	shalt  }
0x73: {  	_ =	shalt  }
0x74: {  	_ =	shalt  }
0x75: {  	_ =	shalt  }
0x76: {  	_ =	shalt  }
0x77: {  	_ =	shalt  }
0x78: {  	_ =	shalt  }
0x79: {  	_ =	shalt  }
0x7a: {  	_ =	shalt  }
0x7b: {  	_ =	shalt  }
0x7c: {  	_ =	shalt  }
0x7d: {  	_ =	shalt  }
0x7e: {  	_ =	shalt  }
0x7f: {  	_ =	shalt  }
0x80: {  	_ =	shalt  }
0x81: {  	_ =	shalt  }
0x82: {  	_ =	shalt  }
0x83: {  	_ =	shalt  }
0x84: {  	_ =	shalt  }
0x85: {  	_ =	shalt  }
0x86: {  	_ =	shalt  }
0x87: {  	_ =	shalt  }
.Lfunc_end0:
.L_simem_size_0:
called_computation_lowered:
.L_overlay_start_0:
0x88: {  	s2 =	sld [smem:$0x3FD9]  }
0x89: {  	s3 =	sld [smem:$0x3FFE];
	_ =	sdelay $0x1  }
0x8a: {  	s1 =	srdreg.scid  }
0x8b: {  	s0 =	sand.u32 $0x1, s1  }
0x8c: {  	s18 =	sshll.u32 s0, $0xA;
	s2 =	sadd.s32 s3, s2  }
0x8d: {  	s2 =	sadd.s32 s2, s18  }
0x8e: {  	[smem:$0x3FC6] =	sst s2  }
0x8f: {  	_ = 	snop  }
0x90: {  	s2 =	sld [smem:$0x3FC9]  }
0x91: {  	s19 =	sld [smem:$0x3FC8]  }
0x92: {  	s4 =	sld [smem:$0x3FD0];
	(tm) =	ssettm $0x1  }
0x93: {  	s5 =	sld [smem:$0x3FFB];
	_ =	sdelay $0x3  }
0x94: {  	_ =	strace s5  }
0x95: {  	s5 =	sld [smem:$0x3FFC];
	_ =	sdelay $0x3  }
0x96: {  	_ =	strace s5  }
0x97: {  	s5 =	sld [smem:$0x3FFD];
	_ =	sdelay $0x3  }
0x98: {  	_ =	strace s5  }
0x99: {  	_ =	strace $0x8FFFFFFF  }
0x9a: {  	s20 =	sld [smem:$0x3FDB];
	_ =	sdelay $0x1  }
0x9b: {  	s6 =	simm.s32 $_scs_section_size  }
0x9c: {  	s7 =	simm.s32 $_size__tile_overlayer_lowered;
	s8 =	simm.s32 $_tile_overlayer_lowered  }
0x9d: {  	s23 =	simm.s32 $0x1BFF;
	s22 =	sshll.u32 s8, $0x1;
	s5 =	sadd.s32 s6, s20  }
0x9e: {  	s9 =	simm.s32 $0x0;
	s21 =	sshll.u32 s7, $0x1;
	s7 =	sadd.s32 s22, s5  }
0x9f: {  	[timem:s9], [sflag:s23] =	dma.local [hbm:s7], s21  }
0xa0: {  	_ =	swait.ge [sflag:s23], s21  }
0xa1: {  	s6 =	ssub.s32 $0x0, s21;
	[sflag:s23] =	ssyncset.done $0x0  }
0xa2: {  	[sflag:s23] =	ssyncadd.s32 s6;
	_ =	sdelay $0x1  }
0xa3: {  	s24 =	simm.s32 $0x1B8B  }
0xa4: {  	_ =	swait.ge [sflag:s24], $0x1  }
0xa5: {  	[sflag:s24] =	ssyncset.done $0x0  }
0xa6: {  	s25 =	simm.s32 $0x1B8E;
	[sflag:s24] =	ssyncadd.s32 $0xFFFFFFFF  }
0xa7: {  	s26 =	simm.s32 $execute0_lowered;
	[smem:$0x3FD2] =	sst s25  }
0xa8: {  	s6 =	sshll.u32 s26, $0x1;
	_ =	strace $0x80000046;
	[dreg:$0x1] =	wrdreg $0xFFFFFFFF  }
0xa9: {  	s28 =	simm.s32 $_size_execute0_lowered;
	s5 =	sadd.s32 s5, s6;
	[dreg:$0x0] =	wrdreg $0x0  }
0xaa: {  	s6 =	sshll.u32 s28, $0x1;
	[dreg:$0x2] =	wrdreg s5  }
0xab: {  	[dreg:$0x3] =	wrdreg s6  }
0xac: {  	[dreg:$0x4] =	wrdreg $0xC0  }
0xad: {  	_ =	task [dreg:s9], $0x5FFFF  }
0xae: {  	[dreg:$0x1] =	wrdreg $0xFFFFFFFF  }
0xaf: {  	[dreg:$0x0] =	wrdreg $0x60  }
0xb0: {  	[dreg:$0x2] =	wrdreg s2  }
0xb1: {  	[dreg:$0x3] =	wrdreg s19  }
0xb2: {  	[dreg:$0x4] =	wrdreg s4  }
0xb3: {  	[dreg:$0x5] =	wrdreg $0x9  }
0xb4: {  	_ =	task.clear_ibuf [dreg:s9], $0x6FFFF;
	_ =	strace $0x90000046  }
0xb5: {  	s29 =	simm.s32 $0x9;
	_ =	strace $0x80000048  }
0xb6: {  	_ =	swait.ge [sflag:s29], $0x1  }
0xb7: {  	[sflag:s29] =	ssyncadd.s32 $0xFFFFFFFF  }
0xb8: {  	_ =	strace $0x90000048  }
0xb9: {  	_ =	sfence  }
0xba: {  	s30 =	sld [smem:$0x0];
	_ =	sdelay $0x2  }
0xbb: {  	s31 =	sshll.u32 s1, $0xD;
	s1 =	sshrl.u32 s1, $0x2  }
0xbc: {  	s3 =	sand.u32 $0x4000, s31;
	s1 =	sadd.s32 s1, s30  }
0xbd: {  	s0 =	sor.u32 s3, s0;
	s1 =	sshll.u32 s1, $0x11  }
0xbe: {  	s0 =	sor.u32 s1, s0  }
0xbf: {  	s0 =	sadd.s32 $0x8F2B, s0  }
0xc0: {  	[sflag:s0] =	ssyncadd.remote.s32 $0x1  }
0xc1: {  	_ =	sfence.sel $0xFFFF  }
0xc2: {  	[dreg:$0x0] =	wrdreg $0xFFFFFFFF;
	(pc) =	sbr.abs _section_cstart, $3  }
0xc3: {  	[dreg:$0x1] =	wrdreg $0xFFFFFFFF  }
0xc4: {  	_ =	task.clear_ibuf [dreg:s9], $0x2FFFF;
	_ =	strace $0x9FFFFFFF  }
0xc5: {  	(tm) =	ssettm $0x7FFFFFFF  }
tec
execute0_lowered:
.L_overlay_start_1:
0x0: {  	(tag) =	ssettag $0x1  }
0x1: {  	s0 =	srdreg.scid  }
0x2: {  	s2 =	stileid.u32;
	s6 =	sand.u32 $0x1, s0  }
0x3: {  	s7 =	sor.u32 s2, s6  }
0x4: {  	p0 =	sne.s32 s7, $0x0  }
.Ltmp0:
0x5: {  	s1 =	rddreg [dreg:$0x0];
	(pc) =	sbr.rel @p0 .LBB2_11-.Ltmp0, $4  }
0x6: {  	s3 =	rddreg [dreg:$0x1]  }
0x7: {  	s4 =	rddreg [dreg:$0x2];
	s5 =	simm.s32 $0x0  }
0x8: {  	[smem:$0x7FF] =	sst s5  }
0x9: {  	s0 =	rddreg [dreg:$0x3];
	_ =	strace $0x80000047  }
0xa: {  	s6 =	ssub.s32 $0x2, s6  }
0xb: {  	v0 =	vlaneseq.u32;
	s8 =	simm.s32 $0x1;
	s9 =	simm.s32 $0xA480;
	s7 =	sshrl.u32 s6, $0x1  }
0xc: {  	v1 =	vimm.s32 $0xFFFFFFFF;
	v3 =	vimm.f32 $0.0e+00;
	s10 =	simm.s32 $0x0;
	v2 =	vadd.s32 $0x1, v0;
	s6 =	ssub.s32 s6, s7;
	s7 =	simm.s32 $0x2780  }
.LBB2_2:
0xd: {  	s11 =	simm.s32 $0x0;
	s12 =	simm.s32 $0x40;
	s13 =	simm.s32 $0x0  }
.LBB2_3:
0xe: {  	p0 =	sne.s32 s12, $0x9C00;
	[tilespmem:s13+$0x0] =	vst v1;
	s13 =	smov.u32 s12;
	s12 =	sadd.s32 $0x40, s12  }
.Ltmp1:
0xf: {  	(pc) =	sbr.rel @p0 .LBB2_3-.Ltmp1, $2  }
0x10: {  	_ =	sdelay $0x2  }
0x11: {  	s13 =	sshra.s32 s13, $0x2  }
0x12: {  	[tilespmem:s13+$0x0] =	vst v1  }
.LBB2_5:
0x13: {  	s13 =	smul.u32 $0xFA0, s11;
	_ =	sdelay $0x1  }
0x14: {  	s12 =	simm.s32 $0x0;
	s14 =	sadd.s32 s1, s13  }
0x15: {  	[tilespmem:s7], [sflag:$0x1] =	stream.linear.gather [hbm4b:s14+s12], $0x7D00, $0x38;
	[tilespmem:$0x12180] =	vst v63  }
0x16: {  	_ =	swait.ge [sflag:s8], $0x7D00  }
0x17: {  	[sflag:s8] =	ssyncset.done $0x0  }
0x18: {  	s13 =	sadd.s32 s3, s13;
	[sflag:s8] =	ssyncadd.s32 $0xFFFF8300  }
0x19: {  	[tilespmem:s9], [sflag:$0x1] =	stream.linear.gather [hbm4b:s13+s12], $0x7D00, $0x38;
	[tilespmem:$0x12180] =	vst v63  }
0x1a: {  	_ =	swait.ge [sflag:s8], $0x7D00  }
0x1b: {  	[sflag:s8] =	ssyncset.done $0x0  }
0x1c: {  	[sflag:s8] =	ssyncadd.s32 $0xFFFF8300  }
.LBB2_6:
0x1d: {  	s13 =	sshll.u32 s12, $0x4  }
0x1e: {  	v4 =	vld [tilespmem:s13+$0x2780]  }
0x1f: {  	v5 =	vld [tilespmem:s13+$0xA480];
	_ =	sdelay $0x5  }
0x20: {  	s13 =	simm.s32 $0x0;
	vm0 =	vgt.s32 v5, v4  }
.LBB2_7:
0x21: {  	v6 =	vld.idx.msk [tilespmem:v4+s5+$0x0], $0xffff  }
0x22: {  	v7 =	vld.idx.msk [tilespmem:v5+s5+$0x0], $0xffff;
	_ =	sdelay $0x4  }
0x23: {  	v6 =	vand.u32 v6, v7  }
0x24: {  	vm1 =	veq.s32 v6, $0xFFFFFFFF;
	v6 =	vmov s13  }
0x25: {  	vm1 =	vmand vm0, vm1;
	vm2 =	vlt.s32 v6, v2  }
0x26: {  	vm1 =	vmand vm2, vm1  }
0x27: {  	v6 =	vsel vm1, $0x3F800000, v3  }
0x28: {  	(xrf0) =	vmax.scan.msk.f32 $0xffff, v6;
	_ =	sdelay $0x5  }
0x29: {  	v7 =	vmctz.xlane vm1;
	v6, _, _ =	vpop (xrf0)  }
0x2a: {  	(v2sf) =	vpush v6, $0xF  }
0x2b: {  	(v2sf) =	vpush v7, $0x0;
	_ =	sdelay $0xd  }
0x2c: {  	s30 =	spop (v2sf)  }
0x2d: {  	vm2 =	veq.s32 v7, v0;
	p0 =	sgt.f32 s30, $0.0e+00;
	s31 =	spop (v2sf)  }
0x2e: {  	vm1 =	vmand vm2, vm1;
	s13 =	sadd.s32 $0x1, s31  }
0x2f: {  	p1 =	slt.s32 @p0 s13, $0x10  }
0x30: {  	p0 =	por !p0, !p1  }
.Ltmp2:
0x31: {  	_ = 	snop;
	(pc) =	sbr.rel @!p0 .LBB2_7-.Ltmp2, $3  }
0x32: {  	_ =	sdelay $0x1  }
0x33: {  	[tilespmem:v4+s5+$0x0] =	vst.idx.msk vm1, v4  }
0x34: {  	[tilespmem:v5+s5+$0x0] =	vst.idx.msk vm1, v4  }
0x35: {  	s12 =	sadd.s32 $0x1, s12  }
0x36: {  	p0 =	sne.s32 s12, $0x7D0  }
.Ltmp3:
0x37: {  	_ = 	snop;
	(pc) =	sbr.rel @p0 .LBB2_6-.Ltmp3, $1  }
0x38: {  	_ =	sdelay $0x3  }
0x39: {  	s11 =	sadd.s32 $0x1, s11  }
0x3a: {  	p0 =	sne.s32 s11, $0xA  }
.Ltmp4:
0x3b: {  	_ = 	snop;
	(pc) =	sbr.rel @p0 .LBB2_5-.Ltmp4, $1  }
0x3c: {  	_ =	sdelay $0x3  }
0x3d: {  	s10 =	sadd.s32 $0x1, s10  }
0x3e: {  	p0 =	sne.s32 s10, s6  }
.Ltmp5:
0x3f: {  	_ = 	snop;
	(pc) =	sbr.rel @p0 .LBB2_2-.Ltmp5, $4  }
0x40: {  	[hbm4b:s4+s5] =	stream.linear.scatter [tilespmem:s5], [sflag:$0x1], $0x2780, $0x38;
	[tilespmem:$0x12180] =	vst v63  }
0x41: {  	_ =	swait.ge [sflag:s8], $0x2780  }
0x42: {  	[sflag:s8] =	ssyncset.done $0x0  }
0x43: {  	[sflag:s8] =	ssyncadd.s32 $0xFFFFD880  }
.LBB2_11:
0x44: {  	_ =	sfence.sel $0x180000  }
0x45: {  	[bflag:$0x0] =	sbarrier.arrive $0xFFFF  }
0x46: {  	p0 =	sne.s32 s2, $0x0;
	_ =	strace $0x90000047  }
0x47: {  	s0 =	sadd.s32 @!p0 $0x100000, s0;
	[bflag:$0x2] =	sbarrier.arrive $0xFFFF  }
0x48: {  	[sflag:s0] =	ssyncadd.tile.s32 @!p0 $0x1;
	_ =	shalt  }
.Lfunc_end2:
_tile_overlayer_lowered:
.L_overlay_start_2:
0x49: {  	(tag) =	ssettag $0x2  }
0x4a: {  	s0 =	rddreg [dreg:$0x0];
	s2 =	stileid.u32  }
0x4b: {  	s1 =	rddreg [dreg:$0x1];
	p0 =	sne.s32 s2, $0x0  }
0x4c: {  	s3 =	rddreg [dreg:$0x2];
	[bflag:$0x3] =	sbarrier.arrive $0xFFFF;
	s2 =	simm.s32 @!p0 $0x1C01  }
0x4d: {  	[timem:s3], [sflag:s2] =	dma.local @!p0 [hbm:s0], s1  }
0x4e: {  	s0 =	simm.s32 @!p0 $0x1  }
0x4f: {  	_ =	swait.ge @!p0 [sflag:s0], s1  }
0x50: {  	s1 =	ssub.s32 @!p0 $0x0, s1;
	[sflag:s0] =	ssyncset.done @!p0 $0x0  }
0x51: {  	[sflag:s0] =	ssyncadd.s32 @!p0 s1  }
0x52: {  	[bflag:$0x3] =	sbarrier.arrive $0xFFFF  }
0x53: {  	_ =	shalt  }

</sc_bundles>
